<compile_context>
chip_gen: v7x
topology: tpu7x:2x2x1
jax: 0.10.2.dev20260603
libtpu: 0.0.44.dev20260713+nightly
codegen_flags: <defaults>
</compile_context>

<pallas_src>
import functools

import jax
import jax.numpy as jnp
from jax import lax
from jax.experimental import pallas as pl
from jax.experimental.pallas import tpu as pltpu
from jax.experimental.pallas import tpu_sc as plsc


def _gate_body(x_ref, wg_ref, g1_ref, g2_ref, i1_ref, i2_ref, l1_ref, l2_ref,
               loss_ref, ce_ref, cnt1_ref, cnt2_ref, me_ref):
    step = pl.program_id(0)
    nb = pl.num_programs(0)
    bt = x_ref.shape[0]
    ne = wg_ref.shape[0]

    @pl.when(step == 0)
    def _init():
        cnt1_ref[...] = jnp.zeros_like(cnt1_ref)
        cnt2_ref[...] = jnp.zeros_like(cnt2_ref)
        me_ref[...] = jnp.zeros_like(me_ref)

    logits = lax.dot_general(
        x_ref[...].astype(jnp.bfloat16), wg_ref[...].astype(jnp.bfloat16),
        (((1,), (1,)), ((), ())), preferred_element_type=jnp.float32)

    col = lax.broadcasted_iota(jnp.int32, (bt, ne), 1)
    m1 = jnp.max(logits, axis=1, keepdims=True)
    i1 = jnp.min(jnp.where(logits == m1, col, ne), axis=1)
    onehot1 = col == i1[:, None]
    masked = jnp.where(onehot1, -jnp.inf, logits)
    m2 = jnp.max(masked, axis=1, keepdims=True)
    i2 = jnp.min(jnp.where(masked == m2, col, ne), axis=1)
    onehot2 = col == i2[:, None]

    p = jnp.exp(logits - m1)
    z = jnp.sum(p, axis=1, keepdims=True)
    g1 = 1.0 / z
    g2 = jnp.exp(m2 - m1) / z
    den = jnp.maximum(g1 + g2, jnp.finfo(jnp.float32).eps)
    g1_ref[...] = (g1 / den)[:, 0]
    g2_ref[...] = (g2 / den)[:, 0]
    i1_ref[...] = i1
    i2_ref[...] = i2

    m1f = onehot1.astype(jnp.float32)
    m2f = onehot2.astype(jnp.float32)
    r = lax.broadcasted_iota(jnp.int32, (bt, bt), 0)
    c = lax.broadcasted_iota(jnp.int32, (bt, bt), 1)
    tri = (c <= r).astype(jnp.float32)
    cum1 = lax.dot_general(tri, m1f, (((1,), (0,)), ((), ())),
                           preferred_element_type=jnp.float32)
    cum2 = lax.dot_general(tri, m2f, (((1,), (0,)), ((), ())),
                           preferred_element_type=jnp.float32)
    c1 = cnt1_ref[...]
    c2 = cnt2_ref[...]
    l1_ref[...] = jnp.sum((cum1 - 1.0 + c1) * m1f, axis=1).astype(jnp.int32)
    l2_ref[...] = jnp.sum((cum2 - 1.0 + c2) * m2f, axis=1).astype(jnp.int32)
    new_c1 = c1 + cum1[bt - 1:bt, :]
    new_c2 = c2 + cum2[bt - 1:bt, :]
    new_me = me_ref[...] + jnp.sum(p / z, axis=0, keepdims=True)
    cnt1_ref[...] = new_c1
    cnt2_ref[...] = new_c2
    me_ref[...] = new_me

    @pl.when(step == nb - 1)
    def _fin():
        ntok = nb * bt
        loss_ref[...] = (jnp.sum(new_me * new_c1) * (ne / (ntok * ntok))
                         ).reshape(1, 1)
        ce_ref[...] = new_c1.astype(jnp.int32)


def _gate_call(x, wg, bt):
    nt, d = x.shape
    ne = wg.shape[0]
    nb = nt // bt
    tok = pl.BlockSpec((bt,), lambda i: (i,))
    return pl.pallas_call(
        _gate_body,
        grid=(nb,),
        in_specs=[pl.BlockSpec((bt, d), lambda i: (i, 0)),
                  pl.BlockSpec((ne, d), lambda i: (0, 0))],
        out_specs=[tok, tok, tok, tok, tok, tok,
                   pl.BlockSpec((1, 1), lambda i: (0, 0)),
                   pl.BlockSpec((1, ne), lambda i: (0, 0))],
        out_shape=[jax.ShapeDtypeStruct((nt,), jnp.float32),
                   jax.ShapeDtypeStruct((nt,), jnp.float32),
                   jax.ShapeDtypeStruct((nt,), jnp.int32),
                   jax.ShapeDtypeStruct((nt,), jnp.int32),
                   jax.ShapeDtypeStruct((nt,), jnp.int32),
                   jax.ShapeDtypeStruct((nt,), jnp.int32),
                   jax.ShapeDtypeStruct((1, 1), jnp.float32),
                   jax.ShapeDtypeStruct((1, ne), jnp.int32)],
        scratch_shapes=[pltpu.VMEM((1, ne), jnp.float32),
                        pltpu.VMEM((1, ne), jnp.float32),
                        pltpu.VMEM((1, ne), jnp.float32)],
    )(x, wg)


def _make_fixup(nt, ne, nw):
    chunk = nt // nw
    mesh = plsc.VectorSubcoreMesh(core_axis_name="c", subcore_axis_name="s")

    @functools.partial(
        pl.kernel, mesh=mesh,
        out_type=jax.ShapeDtypeStruct((nt,), jnp.int32),
        scratch_types=[pltpu.VMEM((chunk,), jnp.int32),
                       pltpu.VMEM((chunk,), jnp.int32),
                       pltpu.VMEM((chunk,), jnp.int32),
                       pltpu.SemaphoreType.DMA])
    def fixup(loc_hbm, idx_hbm, ce_hbm, out_hbm, loc_v, idx_v, gat_v, sem):
        wid = lax.axis_index("s") * 2 + lax.axis_index("c")
        base = wid * chunk
        pltpu.sync_copy(idx_hbm.at[pl.ds(base, chunk)], idx_v)
        pltpu.sync_copy(loc_hbm.at[pl.ds(base, chunk)], loc_v)
        pltpu.async_copy(ce_hbm.at[idx_v], gat_v, sem).wait()
        for i in range(chunk // 16):
            sl = pl.ds(i * 16, 16)
            loc_v[sl] = loc_v[sl] + gat_v[sl]
        pltpu.sync_copy(loc_v, out_hbm.at[pl.ds(base, chunk)])

    return fixup


def kernel(x, wg):
    nt, _ = x.shape
    ne = wg.shape[0]
    g1, g2, i1, i2, loc1, loc2p, loss, ce = _gate_call(x, wg, bt=512)
    ce1 = ce.reshape(ne)
    loc2 = _make_fixup(nt, ne, 32)(loc2p, i2, ce1)
    return loss.reshape(()), g1, g2, i1, i2, loc1, loc2

# --- scband reference (transcript-rebuilt; emitter-appended) ---
"""Pipeline reference for scband-top2-gate-24653112279121 (READ-ONLY COPY).

The authoritative reference and input builder live on the scoring server;
editing this copy changes nothing except your own understanding.
"""

import jax, jax.numpy as jnp
import numpy as np


def setup_inputs(seed: int = 0) -> dict:
    key = jax.random.key(seed)
    k1, k2 = jax.random.split(key)
    x = jax.random.normal(k1, (8192, 4096), dtype=jnp.float32)
    wg = jax.random.normal(k2, (64, 4096), dtype=jnp.float32) * 0.02
    return {"x": x, "wg": wg}


def one_hot_with_dtype(data, num_classes, dtype):
    return (data[:, None] == jnp.arange(num_classes, dtype=data.dtype)[None, :]).astype(dtype)


def reference(x, wg):
    num_global_experts = wg.shape[0]
    logits = x @ wg.T
    _, top2_indices = jax.lax.top_k(logits, 2)
    indices1_s = top2_indices[:, 0]
    indices2_s = top2_indices[:, 1]
    mask1 = one_hot_with_dtype(indices1_s, num_global_experts, jnp.int32)
    mask2 = one_hot_with_dtype(indices2_s, num_global_experts, jnp.int32)
    gates = jax.nn.softmax(logits, axis=1)
    gates1_s = jnp.sum(gates * mask1, axis=1)
    gates2_s = jnp.sum(gates * mask2, axis=1)
    # load_balance (gates dtype is float32, so fp32 branch)
    me = jnp.sum(gates.astype(jnp.float32), axis=0)
    ce = jnp.sum(mask1.astype(jnp.float32), axis=0)
    n_tok = gates.shape[0]
    l_loss = jnp.sum(me * ce) * (num_global_experts / (n_tok * n_tok))
    # fast_cumsum_sub_one = cumsum along token dim minus one
    locations1 = jnp.cumsum(mask1, axis=0) - 1
    locations1_s = jnp.sum(locations1 * mask1, axis=1).astype(jnp.int32)
    locations2 = jnp.cumsum(mask2, axis=0) - 1
    locations2 = locations2 + jnp.sum(mask1, axis=0, keepdims=True)
    locations2_s = jnp.sum(locations2 * mask2, axis=1)
    eps = jnp.finfo(gates2_s.dtype).eps
    denom_s = jnp.maximum(gates1_s + gates2_s, eps)
    gates1_s = gates1_s / denom_s
    gates2_s = gates2_s / denom_s
    return (l_loss, gates1_s, gates2_s,
            indices1_s.astype(jnp.int32), indices2_s.astype(jnp.int32),
            locations1_s, locations2_s.astype(jnp.int32))

if __name__ == "__main__":
    import jax
    _d = setup_inputs()
    print(jax.jit(kernel)(*tuple(_d.values())))

</pallas_src>

<mosaic_0001>
#map = affine_map<(d0, d1) -> (0)>
module attributes {stable_mosaic.version = 14 : i64} {
  func.func @fixup(%arg0: i32, %arg1: i32, %arg2: memref<8192xi32, #tpu.memory_space<hbm>>, %arg3: memref<8192xi32, #tpu.memory_space<hbm>>, %arg4: memref<64xi32, #tpu.memory_space<hbm>>, %arg5: memref<8192xi32, #tpu.memory_space<hbm>>, %arg6: memref<256xi32, #tpu.memory_space<vmem>>, %arg7: memref<256xi32, #tpu.memory_space<vmem>>, %arg8: memref<256xi32, #tpu.memory_space<vmem>>, %arg9: memref<!tpu.dma_semaphore, #tpu.memory_space<semaphore_mem>>) attributes {dimension_semantics = [#tpu.dimension_semantics<core_parallel>, #tpu.dimension_semantics<subcore_parallel>], iteration_bounds = array<i64: 2, 16>, scalar_prefetch = 0 : i64, scratch_operands = 4 : i64, tpu.core_type = #tpu.core_type<sc_vector_subcore>, window_params = [{transform_indices = #map}, {transform_indices = #map}, {transform_indices = #map}, {transform_indices = #map}]} {
    %mul3A = arith.constant 2 : i32
    %mul3A_0 = arith.muli %arg1, %mul3A : i32
    %add3A = arith.addi %mul3A_0, %arg0 : i32
    %mul3A_1 = arith.constant 256 : i32
    %mul3A_2 = arith.muli %add3A, %mul3A_1 : i32
    "tpu.region"() ({
      %run_scoped3A = tpu.sem_alloc : memref<!tpu.dma_semaphore, #tpu.memory_space<semaphore_mem>>
      %dma_start3A_179 = tpu.memref_slice %arg3[%mul3A_2] : memref<8192xi32, #tpu.memory_space<hbm>> -> memref<256xi32, #tpu.memory_space<hbm>>
      %dma_start3A_180 = tpu.memref_slice %arg3[%mul3A_2] : memref<8192xi32, #tpu.memory_space<hbm>> -> memref<256xi32, #tpu.memory_space<hbm>>
      tpu.enqueue_dma source(%dma_start3A_180 : memref<256xi32, #tpu.memory_space<hbm>>) target(%arg7 : memref<256xi32, #tpu.memory_space<vmem>>) target_semaphore(%run_scoped3A : memref<!tpu.dma_semaphore, #tpu.memory_space<semaphore_mem>>)
      %dma_wait3A_181 = tpu.memref_slice %arg3[%mul3A_2] : memref<8192xi32, #tpu.memory_space<hbm>> -> memref<256xi32, #tpu.memory_space<hbm>>
      %dma_wait3A_182 = tpu.memref_slice %arg3[%mul3A_2] : memref<8192xi32, #tpu.memory_space<hbm>> -> memref<256xi32, #tpu.memory_space<hbm>>
      tpu.wait_dma2 semaphore(%run_scoped3A : memref<!tpu.dma_semaphore, #tpu.memory_space<semaphore_mem>>) src(%dma_wait3A_182 : memref<256xi32, #tpu.memory_space<hbm>>) dst(%arg7 : memref<256xi32, #tpu.memory_space<vmem>>)
      tpu.yield
    }) : () -> ()
    "tpu.region"() ({
      %run_scoped3A = tpu.sem_alloc : memref<!tpu.dma_semaphore, #tpu.memory_space<semaphore_mem>>
      %dma_start3A_179 = tpu.memref_slice %arg2[%mul3A_2] : memref<8192xi32, #tpu.memory_space<hbm>> -> memref<256xi32, #tpu.memory_space<hbm>>
      %dma_start3A_180 = tpu.memref_slice %arg2[%mul3A_2] : memref<8192xi32, #tpu.memory_space<hbm>> -> memref<256xi32, #tpu.memory_space<hbm>>
      tpu.enqueue_dma source(%dma_start3A_180 : memref<256xi32, #tpu.memory_space<hbm>>) target(%arg6 : memref<256xi32, #tpu.memory_space<vmem>>) target_semaphore(%run_scoped3A : memref<!tpu.dma_semaphore, #tpu.memory_space<semaphore_mem>>)
      %dma_wait3A_181 = tpu.memref_slice %arg2[%mul3A_2] : memref<8192xi32, #tpu.memory_space<hbm>> -> memref<256xi32, #tpu.memory_space<hbm>>
      %dma_wait3A_182 = tpu.memref_slice %arg2[%mul3A_2] : memref<8192xi32, #tpu.memory_space<hbm>> -> memref<256xi32, #tpu.memory_space<hbm>>
      tpu.wait_dma2 semaphore(%run_scoped3A : memref<!tpu.dma_semaphore, #tpu.memory_space<semaphore_mem>>) src(%dma_wait3A_182 : memref<256xi32, #tpu.memory_space<hbm>>) dst(%arg6 : memref<256xi32, #tpu.memory_space<vmem>>)
      tpu.yield
    }) : () -> ()
    %dma_start3A = arith.constant 0 : i32
    %dma_start3A_3 = tpu.memref_slice %arg4[%dma_start3A] : memref<64xi32, #tpu.memory_space<hbm>> -> memref<64xi32, #tpu.memory_space<hbm>>
    tpu.enqueue_indirect_dma source(%dma_start3A_3 : memref<64xi32, #tpu.memory_space<hbm>>) target(%arg8 : memref<256xi32, #tpu.memory_space<vmem>>) offsets(%arg7 : memref<256xi32, #tpu.memory_space<vmem>>) semaphore(%arg9 : memref<!tpu.dma_semaphore, #tpu.memory_space<semaphore_mem>>)
    %dma_wait3A = arith.constant 0 : i32
    %dma_wait3A_4 = tpu.memref_slice %arg4[%dma_wait3A] : memref<64xi32, #tpu.memory_space<hbm>> -> memref<64xi32, #tpu.memory_space<hbm>>
    tpu.wait_indirect_dma semaphore(%arg9 : memref<!tpu.dma_semaphore, #tpu.memory_space<semaphore_mem>>) src(%dma_wait3A_4 : memref<64xi32, #tpu.memory_space<hbm>>) dst(%arg8 : memref<256xi32, #tpu.memory_space<vmem>>)
    %get3A = arith.constant 0 : index
    %get3A_5 = tpu.vector_load %arg6[%get3A] {strides = array<i32>} : memref<256xi32, #tpu.memory_space<vmem>>, vector<16xi32>,
    %get3A_6 = vector.shape_cast %get3A_5 : vector<16xi32> to vector<16xi32>
    %get3A_7 = arith.constant 0 : index
    %get3A_8 = tpu.vector_load %arg8[%get3A_7] {strides = array<i32>} : memref<256xi32, #tpu.memory_space<vmem>>, vector<16xi32>,
    %get3A_9 = vector.shape_cast %get3A_8 : vector<16xi32> to vector<16xi32>
    %add3A_10 = arith.addi %get3A_6, %get3A_9 : vector<16xi32>
    %swap3A = arith.constant 0 : index
    %swap3A_11 = tpu.vector_load %arg6[%swap3A] {strides = array<i32>} : memref<256xi32, #tpu.memory_space<vmem>>, vector<16xi32>,
    %swap3A_12 = vector.shape_cast %swap3A_11 : vector<16xi32> to vector<16xi32>
    %swap3A_13 = vector.shape_cast %add3A_10 : vector<16xi32> to vector<16xi32>
    tpu.vector_store %arg6[%swap3A], %swap3A_13 {strides = array<i32>} : memref<256xi32, #tpu.memory_space<vmem>>, vector<16xi32>,
    %get3A_14 = arith.constant 16 : index
    %get3A_15 = tpu.vector_load %arg6[%get3A_14] {strides = array<i32>} : memref<256xi32, #tpu.memory_space<vmem>>, vector<16xi32>,
    %get3A_16 = vector.shape_cast %get3A_15 : vector<16xi32> to vector<16xi32>
    %get3A_17 = arith.constant 16 : index
    %get3A_18 = tpu.vector_load %arg8[%get3A_17] {strides = array<i32>} : memref<256xi32, #tpu.memory_space<vmem>>, vector<16xi32>,
    %get3A_19 = vector.shape_cast %get3A_18 : vector<16xi32> to vector<16xi32>
    %add3A_20 = arith.addi %get3A_16, %get3A_19 : vector<16xi32>
    %swap3A_21 = arith.constant 16 : index
    %swap3A_22 = tpu.vector_load %arg6[%swap3A_21] {strides = array<i32>} : memref<256xi32, #tpu.memory_space<vmem>>, vector<16xi32>,
    %swap3A_23 = vector.shape_cast %swap3A_22 : vector<16xi32> to vector<16xi32>
    %swap3A_24 = vector.shape_cast %add3A_20 : vector<16xi32> to vector<16xi32>
    tpu.vector_store %arg6[%swap3A_21], %swap3A_24 {strides = array<i32>} : memref<256xi32, #tpu.memory_space<vmem>>, vector<16xi32>,
    %get3A_25 = arith.constant 32 : index
    %get3A_26 = tpu.vector_load %arg6[%get3A_25] {strides = array<i32>} : memref<256xi32, #tpu.memory_space<vmem>>, vector<16xi32>,
    %get3A_27 = vector.shape_cast %get3A_26 : vector<16xi32> to vector<16xi32>
    %get3A_28 = arith.constant 32 : index
    %get3A_29 = tpu.vector_load %arg8[%get3A_28] {strides = array<i32>} : memref<256xi32, #tpu.memory_space<vmem>>, vector<16xi32>,
    %get3A_30 = vector.shape_cast %get3A_29 : vector<16xi32> to vector<16xi32>
    %add3A_31 = arith.addi %get3A_27, %get3A_30 : vector<16xi32>
    %swap3A_32 = arith.constant 32 : index
    %swap3A_33 = tpu.vector_load %arg6[%swap3A_32] {strides = array<i32>} : memref<256xi32, #tpu.memory_space<vmem>>, vector<16xi32>,
    %swap3A_34 = vector.shape_cast %swap3A_33 : vector<16xi32> to vector<16xi32>
    %swap3A_35 = vector.shape_cast %add3A_31 : vector<16xi32> to vector<16xi32>
    tpu.vector_store %arg6[%swap3A_32], %swap3A_35 {strides = array<i32>} : memref<256xi32, #tpu.memory_space<vmem>>, vector<16xi32>,
    %get3A_36 = arith.constant 48 : index
    %get3A_37 = tpu.vector_load %arg6[%get3A_36] {strides = array<i32>} : memref<256xi32, #tpu.memory_space<vmem>>, vector<16xi32>,
    %get3A_38 = vector.shape_cast %get3A_37 : vector<16xi32> to vector<16xi32>
    %get3A_39 = arith.constant 48 : index
    %get3A_40 = tpu.vector_load %arg8[%get3A_39] {strides = array<i32>} : memref<256xi32, #tpu.memory_space<vmem>>, vector<16xi32>,
    %get3A_41 = vector.shape_cast %get3A_40 : vector<16xi32> to vector<16xi32>
    %add3A_42 = arith.addi %get3A_38, %get3A_41 : vector<16xi32>
    %swap3A_43 = arith.constant 48 : index
    %swap3A_44 = tpu.vector_load %arg6[%swap3A_43] {strides = array<i32>} : memref<256xi32, #tpu.memory_space<vmem>>, vector<16xi32>,
    %swap3A_45 = vector.shape_cast %swap3A_44 : vector<16xi32> to vector<16xi32>
    %swap3A_46 = vector.shape_cast %add3A_42 : vector<16xi32> to vector<16xi32>
    tpu.vector_store %arg6[%swap3A_43], %swap3A_46 {strides = array<i32>} : memref<256xi32, #tpu.memory_space<vmem>>, vector<16xi32>,
    %get3A_47 = arith.constant 64 : index
    %get3A_48 = tpu.vector_load %arg6[%get3A_47] {strides = array<i32>} : memref<256xi32, #tpu.memory_space<vmem>>, vector<16xi32>,
    %get3A_49 = vector.shape_cast %get3A_48 : vector<16xi32> to vector<16xi32>
    %get3A_50 = arith.constant 64 : index
    %get3A_51 = tpu.vector_load %arg8[%get3A_50] {strides = array<i32>} : memref<256xi32, #tpu.memory_space<vmem>>, vector<16xi32>,
    %get3A_52 = vector.shape_cast %get3A_51 : vector<16xi32> to vector<16xi32>
    %add3A_53 = arith.addi %get3A_49, %get3A_52 : vector<16xi32>
    %swap3A_54 = arith.constant 64 : index
    %swap3A_55 = tpu.vector_load %arg6[%swap3A_54] {strides = array<i32>} : memref<256xi32, #tpu.memory_space<vmem>>, vector<16xi32>,
    %swap3A_56 = vector.shape_cast %swap3A_55 : vector<16xi32> to vector<16xi32>
    %swap3A_57 = vector.shape_cast %add3A_53 : vector<16xi32> to vector<16xi32>
    tpu.vector_store %arg6[%swap3A_54], %swap3A_57 {strides = array<i32>} : memref<256xi32, #tpu.memory_space<vmem>>, vector<16xi32>,
    %get3A_58 = arith.constant 80 : index
    %get3A_59 = tpu.vector_load %arg6[%get3A_58] {strides = array<i32>} : memref<256xi32, #tpu.memory_space<vmem>>, vector<16xi32>,
    %get3A_60 = vector.shape_cast %get3A_59 : vector<16xi32> to vector<16xi32>
    %get3A_61 = arith.constant 80 : index
    %get3A_62 = tpu.vector_load %arg8[%get3A_61] {strides = array<i32>} : memref<256xi32, #tpu.memory_space<vmem>>, vector<16xi32>,
    %get3A_63 = vector.shape_cast %get3A_62 : vector<16xi32> to vector<16xi32>
    %add3A_64 = arith.addi %get3A_60, %get3A_63 : vector<16xi32>
    %swap3A_65 = arith.constant 80 : index
    %swap3A_66 = tpu.vector_load %arg6[%swap3A_65] {strides = array<i32>} : memref<256xi32, #tpu.memory_space<vmem>>, vector<16xi32>,
    %swap3A_67 = vector.shape_cast %swap3A_66 : vector<16xi32> to vector<16xi32>
    %swap3A_68 = vector.shape_cast %add3A_64 : vector<16xi32> to vector<16xi32>
    tpu.vector_store %arg6[%swap3A_65], %swap3A_68 {strides = array<i32>} : memref<256xi32, #tpu.memory_space<vmem>>, vector<16xi32>,
    %get3A_69 = arith.constant 96 : index
    %get3A_70 = tpu.vector_load %arg6[%get3A_69] {strides = array<i32>} : memref<256xi32, #tpu.memory_space<vmem>>, vector<16xi32>,
    %get3A_71 = vector.shape_cast %get3A_70 : vector<16xi32> to vector<16xi32>
    %get3A_72 = arith.constant 96 : index
    %get3A_73 = tpu.vector_load %arg8[%get3A_72] {strides = array<i32>} : memref<256xi32, #tpu.memory_space<vmem>>, vector<16xi32>,
    %get3A_74 = vector.shape_cast %get3A_73 : vector<16xi32> to vector<16xi32>
    %add3A_75 = arith.addi %get3A_71, %get3A_74 : vector<16xi32>
    %swap3A_76 = arith.constant 96 : index
    %swap3A_77 = tpu.vector_load %arg6[%swap3A_76] {strides = array<i32>} : memref<256xi32, #tpu.memory_space<vmem>>, vector<16xi32>,
    %swap3A_78 = vector.shape_cast %swap3A_77 : vector<16xi32> to vector<16xi32>
    %swap3A_79 = vector.shape_cast %add3A_75 : vector<16xi32> to vector<16xi32>
    tpu.vector_store %arg6[%swap3A_76], %swap3A_79 {strides = array<i32>} : memref<256xi32, #tpu.memory_space<vmem>>, vector<16xi32>,
    %get3A_80 = arith.constant 112 : index
    %get3A_81 = tpu.vector_load %arg6[%get3A_80] {strides = array<i32>} : memref<256xi32, #tpu.memory_space<vmem>>, vector<16xi32>,
    %get3A_82 = vector.shape_cast %get3A_81 : vector<16xi32> to vector<16xi32>
    %get3A_83 = arith.constant 112 : index
    %get3A_84 = tpu.vector_load %arg8[%get3A_83] {strides = array<i32>} : memref<256xi32, #tpu.memory_space<vmem>>, vector<16xi32>,
    %get3A_85 = vector.shape_cast %get3A_84 : vector<16xi32> to vector<16xi32>
    %add3A_86 = arith.addi %get3A_82, %get3A_85 : vector<16xi32>
    %swap3A_87 = arith.constant 112 : index
    %swap3A_88 = tpu.vector_load %arg6[%swap3A_87] {strides = array<i32>} : memref<256xi32, #tpu.memory_space<vmem>>, vector<16xi32>,
    %swap3A_89 = vector.shape_cast %swap3A_88 : vector<16xi32> to vector<16xi32>
    %swap3A_90 = vector.shape_cast %add3A_86 : vector<16xi32> to vector<16xi32>
    tpu.vector_store %arg6[%swap3A_87], %swap3A_90 {strides = array<i32>} : memref<256xi32, #tpu.memory_space<vmem>>, vector<16xi32>,
    %get3A_91 = arith.constant 128 : index
    %get3A_92 = tpu.vector_load %arg6[%get3A_91] {strides = array<i32>} : memref<256xi32, #tpu.memory_space<vmem>>, vector<16xi32>,
    %get3A_93 = vector.shape_cast %get3A_92 : vector<16xi32> to vector<16xi32>
    %get3A_94 = arith.constant 128 : index
    %get3A_95 = tpu.vector_load %arg8[%get3A_94] {strides = array<i32>} : memref<256xi32, #tpu.memory_space<vmem>>, vector<16xi32>,
    %get3A_96 = vector.shape_cast %get3A_95 : vector<16xi32> to vector<16xi32>
    %add3A_97 = arith.addi %get3A_93, %get3A_96 : vector<16xi32>
    %swap3A_98 = arith.constant 128 : index
    %swap3A_99 = tpu.vector_load %arg6[%swap3A_98] {strides = array<i32>} : memref<256xi32, #tpu.memory_space<vmem>>, vector<16xi32>,
    %swap3A_100 = vector.shape_cast %swap3A_99 : vector<16xi32> to vector<16xi32>
    %swap3A_101 = vector.shape_cast %add3A_97 : vector<16xi32> to vector<16xi32>
    tpu.vector_store %arg6[%swap3A_98], %swap3A_101 {strides = array<i32>} : memref<256xi32, #tpu.memory_space<vmem>>, vector<16xi32>,
    %get3A_102 = arith.constant 144 : index
    %get3A_103 = tpu.vector_load %arg6[%get3A_102] {strides = array<i32>} : memref<256xi32, #tpu.memory_space<vmem>>, vector<16xi32>,
    %get3A_104 = vector.shape_cast %get3A_103 : vector<16xi32> to vector<16xi32>
    %get3A_105 = arith.constant 144 : index
    %get3A_106 = tpu.vector_load %arg8[%get3A_105] {strides = array<i32>} : memref<256xi32, #tpu.memory_space<vmem>>, vector<16xi32>,
    %get3A_107 = vector.shape_cast %get3A_106 : vector<16xi32> to vector<16xi32>
    %add3A_108 = arith.addi %get3A_104, %get3A_107 : vector<16xi32>
    %swap3A_109 = arith.constant 144 : index
    %swap3A_110 = tpu.vector_load %arg6[%swap3A_109] {strides = array<i32>} : memref<256xi32, #tpu.memory_space<vmem>>, vector<16xi32>,
    %swap3A_111 = vector.shape_cast %swap3A_110 : vector<16xi32> to vector<16xi32>
    %swap3A_112 = vector.shape_cast %add3A_108 : vector<16xi32> to vector<16xi32>
    tpu.vector_store %arg6[%swap3A_109], %swap3A_112 {strides = array<i32>} : memref<256xi32, #tpu.memory_space<vmem>>, vector<16xi32>,
    %get3A_113 = arith.constant 160 : index
    %get3A_114 = tpu.vector_load %arg6[%get3A_113] {strides = array<i32>} : memref<256xi32, #tpu.memory_space<vmem>>, vector<16xi32>,
    %get3A_115 = vector.shape_cast %get3A_114 : vector<16xi32> to vector<16xi32>
    %get3A_116 = arith.constant 160 : index
    %get3A_117 = tpu.vector_load %arg8[%get3A_116] {strides = array<i32>} : memref<256xi32, #tpu.memory_space<vmem>>, vector<16xi32>,
    %get3A_118 = vector.shape_cast %get3A_117 : vector<16xi32> to vector<16xi32>
    %add3A_119 = arith.addi %get3A_115, %get3A_118 : vector<16xi32>
    %swap3A_120 = arith.constant 160 : index
    %swap3A_121 = tpu.vector_load %arg6[%swap3A_120] {strides = array<i32>} : memref<256xi32, #tpu.memory_space<vmem>>, vector<16xi32>,
    %swap3A_122 = vector.shape_cast %swap3A_121 : vector<16xi32> to vector<16xi32>
    %swap3A_123 = vector.shape_cast %add3A_119 : vector<16xi32> to vector<16xi32>
    tpu.vector_store %arg6[%swap3A_120], %swap3A_123 {strides = array<i32>} : memref<256xi32, #tpu.memory_space<vmem>>, vector<16xi32>,
    %get3A_124 = arith.constant 176 : index
    %get3A_125 = tpu.vector_load %arg6[%get3A_124] {strides = array<i32>} : memref<256xi32, #tpu.memory_space<vmem>>, vector<16xi32>,
    %get3A_126 = vector.shape_cast %get3A_125 : vector<16xi32> to vector<16xi32>
    %get3A_127 = arith.constant 176 : index
    %get3A_128 = tpu.vector_load %arg8[%get3A_127] {strides = array<i32>} : memref<256xi32, #tpu.memory_space<vmem>>, vector<16xi32>,
    %get3A_129 = vector.shape_cast %get3A_128 : vector<16xi32> to vector<16xi32>
    %add3A_130 = arith.addi %get3A_126, %get3A_129 : vector<16xi32>
    %swap3A_131 = arith.constant 176 : index
    %swap3A_132 = tpu.vector_load %arg6[%swap3A_131] {strides = array<i32>} : memref<256xi32, #tpu.memory_space<vmem>>, vector<16xi32>,
    %swap3A_133 = vector.shape_cast %swap3A_132 : vector<16xi32> to vector<16xi32>
    %swap3A_134 = vector.shape_cast %add3A_130 : vector<16xi32> to vector<16xi32>
    tpu.vector_store %arg6[%swap3A_131], %swap3A_134 {strides = array<i32>} : memref<256xi32, #tpu.memory_space<vmem>>, vector<16xi32>,
    %get3A_135 = arith.constant 192 : index
    %get3A_136 = tpu.vector_load %arg6[%get3A_135] {strides = array<i32>} : memref<256xi32, #tpu.memory_space<vmem>>, vector<16xi32>,
    %get3A_137 = vector.shape_cast %get3A_136 : vector<16xi32> to vector<16xi32>
    %get3A_138 = arith.constant 192 : index
    %get3A_139 = tpu.vector_load %arg8[%get3A_138] {strides = array<i32>} : memref<256xi32, #tpu.memory_space<vmem>>, vector<16xi32>,
    %get3A_140 = vector.shape_cast %get3A_139 : vector<16xi32> to vector<16xi32>
    %add3A_141 = arith.addi %get3A_137, %get3A_140 : vector<16xi32>
    %swap3A_142 = arith.constant 192 : index
    %swap3A_143 = tpu.vector_load %arg6[%swap3A_142] {strides = array<i32>} : memref<256xi32, #tpu.memory_space<vmem>>, vector<16xi32>,
    %swap3A_144 = vector.shape_cast %swap3A_143 : vector<16xi32> to vector<16xi32>
    %swap3A_145 = vector.shape_cast %add3A_141 : vector<16xi32> to vector<16xi32>
    tpu.vector_store %arg6[%swap3A_142], %swap3A_145 {strides = array<i32>} : memref<256xi32, #tpu.memory_space<vmem>>, vector<16xi32>,
    %get3A_146 = arith.constant 208 : index
    %get3A_147 = tpu.vector_load %arg6[%get3A_146] {strides = array<i32>} : memref<256xi32, #tpu.memory_space<vmem>>, vector<16xi32>,
    %get3A_148 = vector.shape_cast %get3A_147 : vector<16xi32> to vector<16xi32>
    %get3A_149 = arith.constant 208 : index
    %get3A_150 = tpu.vector_load %arg8[%get3A_149] {strides = array<i32>} : memref<256xi32, #tpu.memory_space<vmem>>, vector<16xi32>,
    %get3A_151 = vector.shape_cast %get3A_150 : vector<16xi32> to vector<16xi32>
    %add3A_152 = arith.addi %get3A_148, %get3A_151 : vector<16xi32>
    %swap3A_153 = arith.constant 208 : index
    %swap3A_154 = tpu.vector_load %arg6[%swap3A_153] {strides = array<i32>} : memref<256xi32, #tpu.memory_space<vmem>>, vector<16xi32>,
    %swap3A_155 = vector.shape_cast %swap3A_154 : vector<16xi32> to vector<16xi32>
    %swap3A_156 = vector.shape_cast %add3A_152 : vector<16xi32> to vector<16xi32>
    tpu.vector_store %arg6[%swap3A_153], %swap3A_156 {strides = array<i32>} : memref<256xi32, #tpu.memory_space<vmem>>, vector<16xi32>,
    %get3A_157 = arith.constant 224 : index
    %get3A_158 = tpu.vector_load %arg6[%get3A_157] {strides = array<i32>} : memref<256xi32, #tpu.memory_space<vmem>>, vector<16xi32>,
    %get3A_159 = vector.shape_cast %get3A_158 : vector<16xi32> to vector<16xi32>
    %get3A_160 = arith.constant 224 : index
    %get3A_161 = tpu.vector_load %arg8[%get3A_160] {strides = array<i32>} : memref<256xi32, #tpu.memory_space<vmem>>, vector<16xi32>,
    %get3A_162 = vector.shape_cast %get3A_161 : vector<16xi32> to vector<16xi32>
    %add3A_163 = arith.addi %get3A_159, %get3A_162 : vector<16xi32>
    %swap3A_164 = arith.constant 224 : index
    %swap3A_165 = tpu.vector_load %arg6[%swap3A_164] {strides = array<i32>} : memref<256xi32, #tpu.memory_space<vmem>>, vector<16xi32>,
    %swap3A_166 = vector.shape_cast %swap3A_165 : vector<16xi32> to vector<16xi32>
    %swap3A_167 = vector.shape_cast %add3A_163 : vector<16xi32> to vector<16xi32>
    tpu.vector_store %arg6[%swap3A_164], %swap3A_167 {strides = array<i32>} : memref<256xi32, #tpu.memory_space<vmem>>, vector<16xi32>,
    %get3A_168 = arith.constant 240 : index
    %get3A_169 = tpu.vector_load %arg6[%get3A_168] {strides = array<i32>} : memref<256xi32, #tpu.memory_space<vmem>>, vector<16xi32>,
    %get3A_170 = vector.shape_cast %get3A_169 : vector<16xi32> to vector<16xi32>
    %get3A_171 = arith.constant 240 : index
    %get3A_172 = tpu.vector_load %arg8[%get3A_171] {strides = array<i32>} : memref<256xi32, #tpu.memory_space<vmem>>, vector<16xi32>,
    %get3A_173 = vector.shape_cast %get3A_172 : vector<16xi32> to vector<16xi32>
    %add3A_174 = arith.addi %get3A_170, %get3A_173 : vector<16xi32>
    %swap3A_175 = arith.constant 240 : index
    %swap3A_176 = tpu.vector_load %arg6[%swap3A_175] {strides = array<i32>} : memref<256xi32, #tpu.memory_space<vmem>>, vector<16xi32>,
    %swap3A_177 = vector.shape_cast %swap3A_176 : vector<16xi32> to vector<16xi32>
    %swap3A_178 = vector.shape_cast %add3A_174 : vector<16xi32> to vector<16xi32>
    tpu.vector_store %arg6[%swap3A_175], %swap3A_178 {strides = array<i32>} : memref<256xi32, #tpu.memory_space<vmem>>, vector<16xi32>,
    "tpu.region"() ({
      %run_scoped3A = tpu.sem_alloc : memref<!tpu.dma_semaphore, #tpu.memory_space<semaphore_mem>>
      %dma_start3A_179 = tpu.memref_slice %arg5[%mul3A_2] : memref<8192xi32, #tpu.memory_space<hbm>> -> memref<256xi32, #tpu.memory_space<hbm>>
      %dma_start3A_180 = tpu.memref_slice %arg5[%mul3A_2] : memref<8192xi32, #tpu.memory_space<hbm>> -> memref<256xi32, #tpu.memory_space<hbm>>
      tpu.enqueue_dma source(%arg6 : memref<256xi32, #tpu.memory_space<vmem>>) target(%dma_start3A_180 : memref<256xi32, #tpu.memory_space<hbm>>) target_semaphore(%run_scoped3A : memref<!tpu.dma_semaphore, #tpu.memory_space<semaphore_mem>>)
      %dma_wait3A_181 = tpu.memref_slice %arg5[%mul3A_2] : memref<8192xi32, #tpu.memory_space<hbm>> -> memref<256xi32, #tpu.memory_space<hbm>>
      %dma_wait3A_182 = tpu.memref_slice %arg5[%mul3A_2] : memref<8192xi32, #tpu.memory_space<hbm>> -> memref<256xi32, #tpu.memory_space<hbm>>
      tpu.wait_dma2 semaphore(%run_scoped3A : memref<!tpu.dma_semaphore, #tpu.memory_space<semaphore_mem>>) src(%arg6 : memref<256xi32, #tpu.memory_space<vmem>>) dst(%dma_wait3A_182 : memref<256xi32, #tpu.memory_space<hbm>>)
      tpu.yield
    }) : () -> ()
    return
  }
}

module attributes {stable_mosaic.version = 14 : i64} {
  func.func @_gate_body(%arg0: i32, %arg1: memref<512x4096xf32, #tpu.memory_space<vmem>>, %arg2: memref<64x4096xf32, #tpu.memory_space<vmem>>, %arg3: memref<512xf32, #tpu.memory_space<vmem>>, %arg4: memref<512xf32, #tpu.memory_space<vmem>>, %arg5: memref<512xi32, #tpu.memory_space<vmem>>, %arg6: memref<512xi32, #tpu.memory_space<vmem>>, %arg7: memref<512xi32, #tpu.memory_space<vmem>>, %arg8: memref<512xi32, #tpu.memory_space<vmem>>, %arg9: memref<1x1xf32, #tpu.memory_space<vmem>>, %arg10: memref<1x64xi32, #tpu.memory_space<vmem>>, %arg11: memref<1x64xf32, #tpu.memory_space<vmem>>, %arg12: memref<1x64xf32, #tpu.memory_space<vmem>>, %arg13: memref<1x64xf32, #tpu.memory_space<vmem>>) attributes {dimension_semantics = [#tpu.dimension_semantics<arbitrary>], iteration_bounds = array<i64: 16>, scalar_prefetch = 0 : i64, scratch_operands = 3 : i64, tpu.core_type = #tpu.core_type<tc>, window_params = [{transform_indices = @transform_0, window_bounds = array<i64: 512, 4096>}, {pipeline_mode = #tpu.pipeline_mode<synchronous>, transform_indices = @transform_1, window_bounds = array<i64: 64, 4096>}, {transform_indices = @transform_2, window_bounds = array<i64: 512>}, {transform_indices = @transform_3, window_bounds = array<i64: 512>}, {transform_indices = @transform_4, window_bounds = array<i64: 512>}, {transform_indices = @transform_5, window_bounds = array<i64: 512>}, {transform_indices = @transform_6, window_bounds = array<i64: 512>}, {transform_indices = @transform_7, window_bounds = array<i64: 512>}, {pipeline_mode = #tpu.pipeline_mode<synchronous>, transform_indices = @transform_8, window_bounds = array<i64: 1, 1>}, {pipeline_mode = #tpu.pipeline_mode<synchronous>, transform_indices = @transform_9, window_bounds = array<i64: 1, 64>}]} {
    %eq3A = arith.constant 0 : i32
    %eq3A_0 = arith.cmpi eq, %arg0, %eq3A : i32
    %convert_element_type3A = arith.extui %eq3A_0 : i1 to i32
    %cond3A = arith.constant 0 : i32
    %cond3A_1 = arith.cmpi ne, %convert_element_type3A, %cond3A : i32
    scf.if %cond3A_1 {
      %broadcast_in_dim3A_119 = arith.constant 0.000000e+00 : f32
      %broadcast_in_dim3A_120 = vector.broadcast %broadcast_in_dim3A_119 : f32 to vector<1x64xf32>
      %swap3A_121 = arith.constant 0 : index
      %swap3A_122 = arith.constant 0 : index
      %swap3A_123 = vector.load %arg11[%swap3A_121, %swap3A_122] : memref<1x64xf32, #tpu.memory_space<vmem>>, vector<1x64xf32>
      tpu.vector_store %arg11[%swap3A_121, %swap3A_122], %broadcast_in_dim3A_120 {strides = array<i32>} : memref<1x64xf32, #tpu.memory_space<vmem>>, vector<1x64xf32>,
      %broadcast_in_dim3A_124 = arith.constant 0.000000e+00 : f32
      %broadcast_in_dim3A_125 = vector.broadcast %broadcast_in_dim3A_124 : f32 to vector<1x64xf32>
      %swap3A_126 = arith.constant 0 : index
      %swap3A_127 = arith.constant 0 : index
      %swap3A_128 = vector.load %arg12[%swap3A_126, %swap3A_127] : memref<1x64xf32, #tpu.memory_space<vmem>>, vector<1x64xf32>
      tpu.vector_store %arg12[%swap3A_126, %swap3A_127], %broadcast_in_dim3A_125 {strides = array<i32>} : memref<1x64xf32, #tpu.memory_space<vmem>>, vector<1x64xf32>,
      %broadcast_in_dim3A_129 = arith.constant 0.000000e+00 : f32
      %broadcast_in_dim3A_130 = vector.broadcast %broadcast_in_dim3A_129 : f32 to vector<1x64xf32>
      %swap3A_131 = arith.constant 0 : index
      %swap3A_132 = arith.constant 0 : index
      %swap3A_133 = vector.load %arg13[%swap3A_131, %swap3A_132] : memref<1x64xf32, #tpu.memory_space<vmem>>, vector<1x64xf32>
      tpu.vector_store %arg13[%swap3A_131, %swap3A_132], %broadcast_in_dim3A_130 {strides = array<i32>} : memref<1x64xf32, #tpu.memory_space<vmem>>, vector<1x64xf32>,
    } else {
    }
    %get3A = arith.constant 0 : index
    %get3A_2 = arith.constant 0 : index
    %get3A_3 = vector.load %arg1[%get3A, %get3A_2] : memref<512x4096xf32, #tpu.memory_space<vmem>>, vector<512x4096xf32>
    %convert_element_type3A_4 = arith.truncf %get3A_3 : vector<512x4096xf32> to vector<512x4096xbf16>
    %get3A_5 = arith.constant 0 : index
    %get3A_6 = arith.constant 0 : index
    %get3A_7 = vector.load %arg2[%get3A_5, %get3A_6] : memref<64x4096xf32, #tpu.memory_space<vmem>>, vector<64x4096xf32>
    %convert_element_type3A_8 = arith.truncf %get3A_7 : vector<64x4096xf32> to vector<64x4096xbf16>
    %dot_general3A = arith.constant dense<0.000000e+00> : vector<512x64xf32>
    %dot_general3A_9 = tpu.matmul %convert_element_type3A_4, %convert_element_type3A_8, %dot_general3A {dimension_numbers = #tpu.dot_dimension_numbers<[1], [1], [0], [0], [0, 0, 1, 0], [], []>, transpose_lhs_hint = false} : vector<512x4096xbf16>, vector<64x4096xbf16>, vector<512x64xf32> -> vector<512x64xf32>
    %iota3A = tpu.iota {dimensions = array<i32: 1>} : vector<512x64xi32>
    %reduce_max3A = arith.constant dense<0xFF800000> : vector<512xf32>
    %reduce_max3A_10 = vector.multi_reduction <maximumf>, %dot_general3A_9, %reduce_max3A [1] : vector<512x64xf32> to vector<512xf32>
    %broadcast_in_dim3A = vector.shape_cast %reduce_max3A_10 : vector<512xf32> to vector<512x1xf32>
    %eq3A_11 = vector.broadcast %broadcast_in_dim3A : vector<512x1xf32> to vector<512x64xf32>
    %eq3A_12 = arith.cmpf oeq, %dot_general3A_9, %eq3A_11 : vector<512x64xf32>
    %jit3A = arith.constant 64 : i32
    %broadcast_in_dim3A_13 = vector.broadcast %jit3A : i32 to vector<512x64xi32>
    %select_n3A = arith.select %eq3A_12, %iota3A, %broadcast_in_dim3A_13 : vector<512x64xi1>, vector<512x64xi32>
    %reduce_min3A = arith.constant dense<2147483647> : vector<512xi32>
    %reduce_min3A_14 = vector.multi_reduction <minsi>, %select_n3A, %reduce_min3A [1] : vector<512x64xi32> to vector<512xi32>
    %broadcast_in_dim3A_15 = vector.shape_cast %reduce_min3A_14 : vector<512xi32> to vector<512x1xi32>
    %eq3A_16 = vector.broadcast %broadcast_in_dim3A_15 : vector<512x1xi32> to vector<512x64xi32>
    %eq3A_17 = arith.cmpi eq, %iota3A, %eq3A_16 : vector<512x64xi32>
    %jit3A_18 = arith.constant 0xFF800000 : f32
    %broadcast_in_dim3A_19 = vector.broadcast %jit3A_18 : f32 to vector<512x64xf32>
    %select_n3A_20 = arith.select %eq3A_17, %broadcast_in_dim3A_19, %dot_general3A_9 : vector<512x64xi1>, vector<512x64xf32>
    %reduce_max3A_21 = arith.constant dense<0xFF800000> : vector<512xf32>
    %reduce_max3A_22 = vector.multi_reduction <maximumf>, %select_n3A_20, %reduce_max3A_21 [1] : vector<512x64xf32> to vector<512xf32>
    %broadcast_in_dim3A_23 = vector.shape_cast %reduce_max3A_22 : vector<512xf32> to vector<512x1xf32>
    %eq3A_24 = vector.broadcast %broadcast_in_dim3A_23 : vector<512x1xf32> to vector<512x64xf32>
    %eq3A_25 = arith.cmpf oeq, %select_n3A_20, %eq3A_24 : vector<512x64xf32>
    %jit3A_26 = arith.constant 64 : i32
    %broadcast_in_dim3A_27 = vector.broadcast %jit3A_26 : i32 to vector<512x64xi32>
    %select_n3A_28 = arith.select %eq3A_25, %iota3A, %broadcast_in_dim3A_27 : vector<512x64xi1>, vector<512x64xi32>
    %reduce_min3A_29 = arith.constant dense<2147483647> : vector<512xi32>
    %reduce_min3A_30 = vector.multi_reduction <minsi>, %select_n3A_28, %reduce_min3A_29 [1] : vector<512x64xi32> to vector<512xi32>
    %broadcast_in_dim3A_31 = vector.shape_cast %reduce_min3A_30 : vector<512xi32> to vector<512x1xi32>
    %eq3A_32 = vector.broadcast %broadcast_in_dim3A_31 : vector<512x1xi32> to vector<512x64xi32>
    %eq3A_33 = arith.cmpi eq, %iota3A, %eq3A_32 : vector<512x64xi32>
    %sub3A = vector.broadcast %broadcast_in_dim3A : vector<512x1xf32> to vector<512x64xf32>
    %sub3A_34 = arith.subf %dot_general3A_9, %sub3A : vector<512x64xf32>
    %exp3A = math.exp %sub3A_34 : vector<512x64xf32>
    %reduce_sum3A = arith.constant dense<0.000000e+00> : vector<512xf32>
    %reduce_sum3A_35 = vector.multi_reduction <add>, %exp3A, %reduce_sum3A [1] : vector<512x64xf32> to vector<512xf32>
    %broadcast_in_dim3A_36 = vector.shape_cast %reduce_sum3A_35 : vector<512xf32> to vector<512x1xf32>
    %div3A = arith.constant 1.000000e+00 : f32
    %div3A_37 = vector.broadcast %div3A : f32 to vector<512x1xf32>
    %div3A_38 = arith.divf %div3A_37, %broadcast_in_dim3A_36 : vector<512x1xf32>
    %sub3A_39 = arith.subf %broadcast_in_dim3A_23, %broadcast_in_dim3A : vector<512x1xf32>
    %exp3A_40 = math.exp %sub3A_39 : vector<512x1xf32>
    %div3A_41 = arith.divf %exp3A_40, %broadcast_in_dim3A_36 : vector<512x1xf32>
    %add3A = arith.addf %div3A_38, %div3A_41 : vector<512x1xf32>
    %max3A = arith.constant 1.1920929E-7 : f32
    %max3A_42 = vector.broadcast %max3A : f32 to vector<512x1xf32>
    %max3A_43 = arith.maximumf %add3A, %max3A_42 : vector<512x1xf32>
    %div3A_44 = arith.divf %div3A_38, %max3A_43 : vector<512x1xf32>
    %squeeze3A = vector.shape_cast %div3A_44 : vector<512x1xf32> to vector<512xf32>
    %swap3A = arith.constant 0 : index
    %swap3A_45 = vector.load %arg3[%swap3A] : memref<512xf32, #tpu.memory_space<vmem>>, vector<512xf32>
    tpu.vector_store %arg3[%swap3A], %squeeze3A {strides = array<i32>} : memref<512xf32, #tpu.memory_space<vmem>>, vector<512xf32>,
    %div3A_46 = arith.divf %div3A_41, %max3A_43 : vector<512x1xf32>
    %squeeze3A_47 = vector.shape_cast %div3A_46 : vector<512x1xf32> to vector<512xf32>
    %swap3A_48 = arith.constant 0 : index
    %swap3A_49 = vector.load %arg4[%swap3A_48] : memref<512xf32, #tpu.memory_space<vmem>>, vector<512xf32>
    tpu.vector_store %arg4[%swap3A_48], %squeeze3A_47 {strides = array<i32>} : memref<512xf32, #tpu.memory_space<vmem>>, vector<512xf32>,
    %swap3A_50 = arith.constant 0 : index
    %swap3A_51 = vector.load %arg5[%swap3A_50] : memref<512xi32, #tpu.memory_space<vmem>>, vector<512xi32>
    tpu.vector_store %arg5[%swap3A_50], %reduce_min3A_14 {strides = array<i32>} : memref<512xi32, #tpu.memory_space<vmem>>, vector<512xi32>,
    %swap3A_52 = arith.constant 0 : index
    %swap3A_53 = vector.load %arg6[%swap3A_52] : memref<512xi32, #tpu.memory_space<vmem>>, vector<512xi32>
    tpu.vector_store %arg6[%swap3A_52], %reduce_min3A_30 {strides = array<i32>} : memref<512xi32, #tpu.memory_space<vmem>>, vector<512xi32>,
    %convert_element_type3A_54 = arith.extui %eq3A_17 : vector<512x64xi1> to vector<512x64xi32>
    %convert_element_type3A_55 = arith.sitofp %convert_element_type3A_54 : vector<512x64xi32> to vector<512x64xf32>
    %convert_element_type3A_56 = arith.extui %eq3A_33 : vector<512x64xi1> to vector<512x64xi32>
    %convert_element_type3A_57 = arith.sitofp %convert_element_type3A_56 : vector<512x64xi32> to vector<512x64xf32>
    %iota3A_58 = tpu.iota {dimensions = array<i32: 0>} : vector<512x512xi32>
    %iota3A_59 = tpu.iota {dimensions = array<i32: 1>} : vector<512x512xi32>
    %le3A = arith.cmpi sle, %iota3A_59, %iota3A_58 : vector<512x512xi32>
    %convert_element_type3A_60 = arith.extui %le3A : vector<512x512xi1> to vector<512x512xi32>
    %convert_element_type3A_61 = arith.sitofp %convert_element_type3A_60 : vector<512x512xi32> to vector<512x512xf32>
    %dot_general3A_62 = arith.constant dense<0.000000e+00> : vector<512x64xf32>
    %dot_general3A_63 = tpu.matmul %convert_element_type3A_61, %convert_element_type3A_55, %dot_general3A_62 {dimension_numbers = #tpu.dot_dimension_numbers<[1], [0], [0], [1], [0, 0, 1, 1], [], []>, transpose_lhs_hint = false} : vector<512x512xf32>, vector<512x64xf32>, vector<512x64xf32> -> vector<512x64xf32>
    %dot_general3A_64 = arith.constant dense<0.000000e+00> : vector<512x64xf32>
    %dot_general3A_65 = tpu.matmul %convert_element_type3A_61, %convert_element_type3A_57, %dot_general3A_64 {dimension_numbers = #tpu.dot_dimension_numbers<[1], [0], [0], [1], [0, 0, 1, 1], [], []>, transpose_lhs_hint = false} : vector<512x512xf32>, vector<512x64xf32>, vector<512x64xf32> -> vector<512x64xf32>
    %get3A_66 = arith.constant 0 : index
    %get3A_67 = arith.constant 0 : index
    %get3A_68 = vector.load %arg11[%get3A_66, %get3A_67] : memref<1x64xf32, #tpu.memory_space<vmem>>, vector<1x64xf32>
    %get3A_69 = arith.constant 0 : index
    %get3A_70 = arith.constant 0 : index
    %get3A_71 = vector.load %arg12[%get3A_69, %get3A_70] : memref<1x64xf32, #tpu.memory_space<vmem>>, vector<1x64xf32>
    %sub3A_72 = arith.constant 1.000000e+00 : f32
    %sub3A_73 = vector.broadcast %sub3A_72 : f32 to vector<512x64xf32>
    %sub3A_74 = arith.subf %dot_general3A_63, %sub3A_73 : vector<512x64xf32>
    %add3A_75 = vector.broadcast %get3A_68 : vector<1x64xf32> to vector<512x64xf32>
    %add3A_76 = arith.addf %sub3A_74, %add3A_75 : vector<512x64xf32>
    %mul3A = arith.mulf %add3A_76, %convert_element_type3A_55 : vector<512x64xf32>
    %reduce_sum3A_77 = arith.constant dense<0.000000e+00> : vector<512xf32>
    %reduce_sum3A_78 = vector.multi_reduction <add>, %mul3A, %reduce_sum3A_77 [1] : vector<512x64xf32> to vector<512xf32>
    %convert_element_type3A_79 = arith.fptosi %reduce_sum3A_78 : vector<512xf32> to vector<512xi32>
    %swap3A_80 = arith.constant 0 : index
    %swap3A_81 = vector.load %arg7[%swap3A_80] : memref<512xi32, #tpu.memory_space<vmem>>, vector<512xi32>
    tpu.vector_store %arg7[%swap3A_80], %convert_element_type3A_79 {strides = array<i32>} : memref<512xi32, #tpu.memory_space<vmem>>, vector<512xi32>,
    %sub3A_82 = arith.constant 1.000000e+00 : f32
    %sub3A_83 = vector.broadcast %sub3A_82 : f32 to vector<512x64xf32>
    %sub3A_84 = arith.subf %dot_general3A_65, %sub3A_83 : vector<512x64xf32>
    %add3A_85 = vector.broadcast %get3A_71 : vector<1x64xf32> to vector<512x64xf32>
    %add3A_86 = arith.addf %sub3A_84, %add3A_85 : vector<512x64xf32>
    %mul3A_87 = arith.mulf %add3A_86, %convert_element_type3A_57 : vector<512x64xf32>
    %reduce_sum3A_88 = arith.constant dense<0.000000e+00> : vector<512xf32>
    %reduce_sum3A_89 = vector.multi_reduction <add>, %mul3A_87, %reduce_sum3A_88 [1] : vector<512x64xf32> to vector<512xf32>
    %convert_element_type3A_90 = arith.fptosi %reduce_sum3A_89 : vector<512xf32> to vector<512xi32>
    %swap3A_91 = arith.constant 0 : index
    %swap3A_92 = vector.load %arg8[%swap3A_91] : memref<512xi32, #tpu.memory_space<vmem>>, vector<512xi32>
    tpu.vector_store %arg8[%swap3A_91], %convert_element_type3A_90 {strides = array<i32>} : memref<512xi32, #tpu.memory_space<vmem>>, vector<512xi32>,
    %slice3A = vector.extract_strided_slice %dot_general3A_63 {offsets = [511, 0], sizes = [1, 64], strides = [1, 1]} : vector<512x64xf32> to vector<1x64xf32>
    %add3A_93 = arith.addf %get3A_68, %slice3A : vector<1x64xf32>
    %slice3A_94 = vector.extract_strided_slice %dot_general3A_65 {offsets = [511, 0], sizes = [1, 64], strides = [1, 1]} : vector<512x64xf32> to vector<1x64xf32>
    %add3A_95 = arith.addf %get3A_71, %slice3A_94 : vector<1x64xf32>
    %get3A_96 = arith.constant 0 : index
    %get3A_97 = arith.constant 0 : index
    %get3A_98 = vector.load %arg13[%get3A_96, %get3A_97] : memref<1x64xf32, #tpu.memory_space<vmem>>, vector<1x64xf32>
    %div3A_99 = vector.broadcast %broadcast_in_dim3A_36 : vector<512x1xf32> to vector<512x64xf32>
    %div3A_100 = arith.divf %exp3A, %div3A_99 : vector<512x64xf32>
    %reduce_sum3A_101 = arith.constant dense<0.000000e+00> : vector<64xf32>
    %reduce_sum3A_102 = vector.multi_reduction <add>, %div3A_100, %reduce_sum3A_101 [0] : vector<512x64xf32> to vector<64xf32>
    %broadcast_in_dim3A_103 = vector.shape_cast %reduce_sum3A_102 : vector<64xf32> to vector<1x64xf32>
    %add3A_104 = arith.addf %get3A_98, %broadcast_in_dim3A_103 : vector<1x64xf32>
    %swap3A_105 = arith.constant 0 : index
    %swap3A_106 = arith.constant 0 : index
    %swap3A_107 = vector.load %arg11[%swap3A_105, %swap3A_106] : memref<1x64xf32, #tpu.memory_space<vmem>>, vector<1x64xf32>
    tpu.vector_store %arg11[%swap3A_105, %swap3A_106], %add3A_93 {strides = array<i32>} : memref<1x64xf32, #tpu.memory_space<vmem>>, vector<1x64xf32>,
    %swap3A_108 = arith.constant 0 : index
    %swap3A_109 = arith.constant 0 : index
    %swap3A_110 = vector.load %arg12[%swap3A_108, %swap3A_109] : memref<1x64xf32, #tpu.memory_space<vmem>>, vector<1x64xf32>
    tpu.vector_store %arg12[%swap3A_108, %swap3A_109], %add3A_95 {strides = array<i32>} : memref<1x64xf32, #tpu.memory_space<vmem>>, vector<1x64xf32>,
    %swap3A_111 = arith.constant 0 : index
    %swap3A_112 = arith.constant 0 : index
    %swap3A_113 = vector.load %arg13[%swap3A_111, %swap3A_112] : memref<1x64xf32, #tpu.memory_space<vmem>>, vector<1x64xf32>
    tpu.vector_store %arg13[%swap3A_111, %swap3A_112], %add3A_104 {strides = array<i32>} : memref<1x64xf32, #tpu.memory_space<vmem>>, vector<1x64xf32>,
    %eq3A_114 = arith.constant 15 : i32
    %eq3A_115 = arith.cmpi eq, %arg0, %eq3A_114 : i32
    %convert_element_type3A_116 = arith.extui %eq3A_115 : i1 to i32
    %cond3A_117 = arith.constant 0 : i32
    %cond3A_118 = arith.cmpi ne, %convert_element_type3A_116, %cond3A_117 : i32
    scf.if %cond3A_118 {
      %mul3A_119 = arith.mulf %add3A_104, %add3A_93 : vector<1x64xf32>
      %reduce_sum3A_120 = vector.shape_cast %mul3A_119 : vector<1x64xf32> to vector<1x1x64xf32>
      %reduce_sum3A_121 = arith.constant dense<0.000000e+00> : vector<1xf32>
      %reduce_sum3A_122 = vector.multi_reduction <add>, %reduce_sum3A_120, %reduce_sum3A_121 [1, 2] : vector<1x1x64xf32> to vector<1xf32>
      %reduce_sum3A_123 = vector.shape_cast %reduce_sum3A_122 : vector<1xf32> to vector<1x1x1xf32>
      %reduce_sum3A_124 = vector.extract %reduce_sum3A_123[0, 0, 0] : f32 from vector<1x1x1xf32>
      %mul3A_125 = arith.constant 9.53674316E-7 : f32
      %mul3A_126 = arith.mulf %reduce_sum3A_124, %mul3A_125 : f32
      %reshape3A = vector.broadcast %mul3A_126 : f32 to vector<1x1xf32>
      %swap3A_127 = arith.constant 0 : index
      %swap3A_128 = arith.constant 0 : index
      %swap3A_129 = vector.load %arg9[%swap3A_127, %swap3A_128] : memref<1x1xf32, #tpu.memory_space<vmem>>, vector<1x1xf32>
      tpu.vector_store %arg9[%swap3A_127, %swap3A_128], %reshape3A {strides = array<i32>} : memref<1x1xf32, #tpu.memory_space<vmem>>, vector<1x1xf32>,
      %convert_element_type3A_130 = arith.fptosi %add3A_93 : vector<1x64xf32> to vector<1x64xi32>
      %swap3A_131 = arith.constant 0 : index
      %swap3A_132 = arith.constant 0 : index
      %swap3A_133 = vector.load %arg10[%swap3A_131, %swap3A_132] : memref<1x64xi32, #tpu.memory_space<vmem>>, vector<1x64xi32>
      tpu.vector_store %arg10[%swap3A_131, %swap3A_132], %convert_element_type3A_130 {strides = array<i32>} : memref<1x64xi32, #tpu.memory_space<vmem>>, vector<1x64xi32>,
    } else {
    }
    return
  }
  func.func @transform_0(%arg0: i32) -> (i32, i32) {
    %c0_i32 = arith.constant 0 : i32
    %c0_i32_0 = arith.constant 0 : i32
    return %arg0, %c0_i32 : i32, i32
  }
  func.func @transform_1(%arg0: i32) -> (i32, i32) {
    %c0_i32 = arith.constant 0 : i32
    %c0_i32_0 = arith.constant 0 : i32
    %c0_i32_1 = arith.constant 0 : i32
    return %c0_i32, %c0_i32_0 : i32, i32
  }
  func.func @transform_2(%arg0: i32) -> i32 {
    %c0_i32 = arith.constant 0 : i32
    return %arg0 : i32
  }
  func.func @transform_3(%arg0: i32) -> i32 {
    %c0_i32 = arith.constant 0 : i32
    return %arg0 : i32
  }
  func.func @transform_4(%arg0: i32) -> i32 {
    %c0_i32 = arith.constant 0 : i32
    return %arg0 : i32
  }
  func.func @transform_5(%arg0: i32) -> i32 {
    %c0_i32 = arith.constant 0 : i32
    return %arg0 : i32
  }
  func.func @transform_6(%arg0: i32) -> i32 {
    %c0_i32 = arith.constant 0 : i32
    return %arg0 : i32
  }
  func.func @transform_7(%arg0: i32) -> i32 {
    %c0_i32 = arith.constant 0 : i32
    return %arg0 : i32
  }
  func.func @transform_8(%arg0: i32) -> (i32, i32) {
    %c0_i32 = arith.constant 0 : i32
    %c0_i32_0 = arith.constant 0 : i32
    %c0_i32_1 = arith.constant 0 : i32
    return %c0_i32, %c0_i32_0 : i32, i32
  }
  func.func @transform_9(%arg0: i32) -> (i32, i32) {
    %c0_i32 = arith.constant 0 : i32
    %c0_i32_0 = arith.constant 0 : i32
    %c0_i32_1 = arith.constant 0 : i32
    return %c0_i32, %c0_i32_0 : i32, i32
  }
}

</mosaic_0001>

<sc_bundles>
// kernel: kernel.4.cloned.1.call-start
scs
__scs_entry_jumppad:
0x0: {  	(pc) =	sbr.rel $0x88, $3  }
0x1: {  	(tag) =	ssettag $0x0;
	lr =	simm.s32 $0x1  }
0x2: {  	[smem:$0x3F9F] =	sst lr;
	_ =	strace $0xD0000000  }
0x3: {  	_ = 	snop  }
0x4: {  	_ = 	snop  }
0x5: {  	_ = 	snop  }
0x6: {  	_ = 	snop  }
0x7: {  	_ = 	snop  }
__scs_overlays_trampoline_lowered:
0x8: {  	[smem:$0x3FAE] =	sst s0  }
0x9: {  	[smem:$0x3FAF] =	sst s1  }
0xa: {  	[smem:$0x3FB0] =	sst s2  }
0xb: {  	[smem:$0x3FB1] =	sst s3  }
0xc: {  	[smem:$0x3FB2] =	sst s4  }
0xd: {  	[smem:$0x3FB3] =	sst s5  }
0xe: {  	[smem:$0x3FB4] =	sst s6  }
0xf: {  	[smem:$0x3FB5] =	sst s7  }
0x10: {  	[smem:$0x3FB6] =	sst s8  }
0x11: {  	[smem:$0x3FB7] =	sst s9;
	s0 =	simm.s32 @!p0 $0x0  }
0x12: {  	s1 =	sld [smem:$0x3F9D];
	s0 =	simm.s32 @p0 $0x1  }
0x13: {  	[smem:$0x3FB8] =	sst s0;
	s0 =	simm.s32 @!p1 $0x0  }
0x14: {  	s2 =	sld [smem:$0x3F9C];
	s0 =	simm.s32 @p1 $0x1  }
0x15: {  	[smem:$0x3FB9] =	sst s0;
	s0 =	simm.s32 @!p2 $0x0  }
0x16: {  	s3 =	sld [smem:$0x3FDB];
	s0 =	simm.s32 @p2 $0x1  }
0x17: {  	s4 =	simm.s32 $0x1BF5;
	[smem:$0x3FBB] =	sst s0  }
0x18: {  	s0 =	sld [smem:$0x3F9E];
	_ =	swait.ge [sflag:s4], $0x0  }
0x19: {  	s7 =	sld [smem:$0x3F9F]  }
0x1a: {  	s8 =	sadd.s32 $0xFFFFE003, lr  }
0x1b: {  	s9 =	sadd.s32 $0xFFFFFEF7, lr;
	s5 =	simm.s32 $0xFFFFFFFF;
	p2 =	slt.u32 s8, $0xFFFFF086  }
0x1c: {  	p1 =	slt.u32 s9, $0xF7A;
	s5 =	simm.s32 @!p2 $0x0  }
0x1d: {  	s5 =	simm.s32 @p1 $0x1;
	p0 =	seq.s32 s7, s2  }
0x1e: {  	s7 =	smul.u32 @!p0 $0xF7A, s2;
	p2 =	seq.s32 @!p0 s5, $0x0  }
0x1f: {  	s9 =	smul.u32 $0xF7A, s1;
	s8 =	simm.s32 @!p0 $0x1BF5;
	p2 =	por !p2, p0  }
0x20: {  	[sflag:s8] =	ssyncset.s32 @!p0 $0xFFFFF086;
	s6 =	sadd.s32 @!p0 s3, s7;
	s7 =	simm.s32 @!p0 $0x108  }
0x21: {  	s3 =	sadd.s32 s3, s9;
	s6 =	sadd.s32 @!p0 $0x88, s6;
	s7 =	simm.s32 @p2 $0x1082  }
0x22: {  	[simem:s7], [sflag:s8] =	dma.local @!p0 [hbm:s6], $0xF7A  }
0x23: {  	s9 =	sor.u32 $0xD0000000, s2;
	s6 =	simm.s32 $0x108;
	_ =	swait.ge @!p0 [sflag:s8], $0x0  }
0x24: {  	s3 =	sadd.s32 $0x88, s3;
	s6 =	simm.s32 @!p1 $0x1082;
	[sflag:s4] =	ssyncset.s32 $0xFFFFF086  }
0x25: {  	[simem:s6], [sflag:s4] =	dma.local [hbm:s3], $0xF7A  }
0x26: {  	[smem:$0x3F9F] =	sst s1;
	(tag) =	ssettag s2;
	_ =	strace s9  }
0x27: {  	s1 =	sld [smem:$0x3FAF]  }
0x28: {  	s2 =	sld [smem:$0x3FB0]  }
0x29: {  	s4 =	sld [smem:$0x3FB2]  }
0x2a: {  	p0 =	seq.s32 s5, $0x0;
	s5 =	sld [smem:$0x3FB3]  }
0x2b: {  	s6 =	sld [smem:$0x3FB4]  }
0x2c: {  	s7 =	sld [smem:$0x3FB5]  }
0x2d: {  	s3 =	simm.s32 $0x108;
	s8 =	sld [smem:$0x3FB6]  }
0x2e: {  	s3 =	simm.s32 @!p0 $0x1082;
	s9 =	sld [smem:$0x3FB7]  }
0x2f: {  	lr =	sadd.s32 s0, s3;
	s0 =	sld [smem:$0x3FAE]  }
0x30: {  	s3 =	sld [smem:$0x3FB1]  }
0x31: {  	[smem:$0x3FBA] =	sst s10  }
0x32: {  	s10 =	sld [smem:$0x3FB8];
	_ =	sdelay $0x3  }
0x33: {  	p0 =	seq.s32 s10, $0x1;
	s10 =	sld [smem:$0x3FBA];
	_ =	sdelay $0x3  }
0x34: {  	[smem:$0x3FBA] =	sst s10  }
0x35: {  	s10 =	sld [smem:$0x3FB9];
	_ =	sdelay $0x3  }
0x36: {  	p1 =	seq.s32 s10, $0x1;
	s10 =	sld [smem:$0x3FBA];
	_ =	sdelay $0x3  }
0x37: {  	[smem:$0x3FBA] =	sst s10  }
0x38: {  	s10 =	sld [smem:$0x3FBB]  }
0x39: {  	_ = 	snop;
	(pc) =	sbr.ind lr, $3  }
0x3a: {  	_ = 	snop  }
0x3b: {  	_ = 	snop  }
0x3c: {  	p2 =	seq.s32 s10, $0x1;
	s10 =	sld [smem:$0x3FBA]  }
0x3d: {  	_ =	shalt  }
0x3e: {  	_ =	shalt  }
0x3f: {  	_ =	shalt  }
0x40: {  	_ =	shalt  }
0x41: {  	_ =	shalt  }
0x42: {  	_ =	shalt  }
0x43: {  	_ =	shalt  }
0x44: {  	_ =	shalt  }
0x45: {  	_ =	shalt  }
0x46: {  	_ =	shalt  }
0x47: {  	_ =	shalt  }
0x48: {  	_ =	shalt  }
0x49: {  	_ =	shalt  }
0x4a: {  	_ =	shalt  }
0x4b: {  	_ =	shalt  }
0x4c: {  	_ =	shalt  }
0x4d: {  	_ =	shalt  }
0x4e: {  	_ =	shalt  }
0x4f: {  	_ =	shalt  }
0x50: {  	_ =	shalt  }
0x51: {  	_ =	shalt  }
0x52: {  	_ =	shalt  }
0x53: {  	_ =	shalt  }
0x54: {  	_ =	shalt  }
0x55: {  	_ =	shalt  }
0x56: {  	_ =	shalt  }
0x57: {  	_ =	shalt  }
0x58: {  	_ =	shalt  }
0x59: {  	_ =	shalt  }
0x5a: {  	_ =	shalt  }
0x5b: {  	_ =	shalt  }
0x5c: {  	_ =	shalt  }
0x5d: {  	_ =	shalt  }
0x5e: {  	_ =	shalt  }
0x5f: {  	_ =	shalt  }
0x60: {  	_ =	shalt  }
0x61: {  	_ =	shalt  }
0x62: {  	_ =	shalt  }
0x63: {  	_ =	shalt  }
0x64: {  	_ =	shalt  }
0x65: {  	_ =	shalt  }
0x66: {  	_ =	shalt  }
0x67: {  	_ =	shalt  }
0x68: {  	_ =	shalt  }
0x69: {  	_ =	shalt  }
0x6a: {  	_ =	shalt  }
0x6b: {  	_ =	shalt  }
0x6c: {  	_ =	shalt  }
0x6d: {  	_ =	shalt  }
0x6e: {  	_ =	shalt  }
0x6f: {  	_ =	shalt  }
0x70: {  	_ =	shalt  }
0x71: {  	_ =	shalt  }
0x72: {  	_ =	shalt  }
0x73: {  	_ =	shalt  }
0x74: {  	_ =	shalt  }
0x75: {  	_ =	shalt  }
0x76: {  	_ =	shalt  }
0x77: {  	_ =	shalt  }
0x78: {  	_ =	shalt  }
0x79: {  	_ =	shalt  }
0x7a: {  	_ =	shalt  }
0x7b: {  	_ =	shalt  }
0x7c: {  	_ =	shalt  }
0x7d: {  	_ =	shalt  }
0x7e: {  	_ =	shalt  }
0x7f: {  	_ =	shalt  }
0x80: {  	_ =	shalt  }
0x81: {  	_ =	shalt  }
0x82: {  	_ =	shalt  }
0x83: {  	_ =	shalt  }
0x84: {  	_ =	shalt  }
0x85: {  	_ =	shalt  }
0x86: {  	_ =	shalt  }
0x87: {  	_ =	shalt  }
.Lfunc_end0:
.L_simem_size_0:
called_computation_lowered:
.L_overlay_start_0:
0x88: {  	s2 =	sld [smem:$0x3FD9]  }
0x89: {  	s3 =	sld [smem:$0x3FFE];
	_ =	sdelay $0x1  }
0x8a: {  	s1 =	srdreg.scid  }
0x8b: {  	s0 =	sand.u32 $0x1, s1  }
0x8c: {  	s14 =	sshll.u32 s0, $0xA;
	s2 =	sadd.s32 s3, s2  }
0x8d: {  	s2 =	sadd.s32 s2, s14  }
0x8e: {  	[smem:$0x3FC6] =	sst s2  }
0x8f: {  	_ = 	snop  }
0x90: {  	s2 =	sld [smem:$0x3FD0];
	_ =	sdelay $0x2  }
0x91: {  	s15 =	simm.s32 $0xA;
	s4 =	simm.s32 $0x10  }
0x92: {  	[smem:s4], [sflag:s15] =	dma.local [hbm:s2], $0x1  }
0x93: {  	_ =	swait.eq [sflag:s15], $0x1  }
0x94: {  	[sflag:s15] =	ssyncset.done $0x0  }
0x95: {  	s16 =	sld [smem:$0x14];
	[sflag:s15] =	ssyncadd.s32 $0xFFFFFFFF  }
0x96: {  	s17 =	sld [smem:$0x16];
	(tm) =	ssettm $0x1  }
0x97: {  	s18 =	sld [smem:$0x3FFB];
	_ =	sdelay $0x3  }
0x98: {  	_ =	strace s18  }
0x99: {  	s4 =	sld [smem:$0x3FFC];
	_ =	sdelay $0x3  }
0x9a: {  	_ =	strace s4  }
0x9b: {  	s4 =	sld [smem:$0x3FFD];
	_ =	sdelay $0x3  }
0x9c: {  	_ =	strace s4  }
0x9d: {  	_ =	strace $0x8FFFFFFF  }
0x9e: {  	s19 =	sld [smem:$0x3FDB];
	_ =	sdelay $0x1  }
0x9f: {  	s5 =	simm.s32 $_scs_section_size  }
0xa0: {  	s6 =	simm.s32 $_size__tile_overlayer_lowered;
	s7 =	simm.s32 $_tile_overlayer_lowered  }
0xa1: {  	s22 =	simm.s32 $0x1BFF;
	s21 =	sshll.u32 s7, $0x1;
	s4 =	sadd.s32 s5, s19  }
0xa2: {  	s8 =	simm.s32 $0x0;
	s20 =	sshll.u32 s6, $0x1;
	s6 =	sadd.s32 s21, s4  }
0xa3: {  	[timem:s8], [sflag:s22] =	dma.local [hbm:s6], s20  }
0xa4: {  	_ =	swait.ge [sflag:s22], s20  }
0xa5: {  	s5 =	ssub.s32 $0x0, s20;
	[sflag:s22] =	ssyncset.done $0x0  }
0xa6: {  	[sflag:s22] =	ssyncadd.s32 s5;
	_ =	sdelay $0x1  }
0xa7: {  	s23 =	simm.s32 $0x1B8B  }
0xa8: {  	_ =	swait.ge [sflag:s23], $0x1  }
0xa9: {  	[sflag:s23] =	ssyncset.done $0x0  }
0xaa: {  	s25 =	simm.s32 $0x1B8E;
	s24 =	sld [smem:$0x3FFE];
	[sflag:s23] =	ssyncadd.s32 $0xFFFFFFFF  }
0xab: {  	s26 =	simm.s32 $execute0_lowered;
	[smem:$0x3FD2] =	sst s25  }
0xac: {  	s6 =	sshll.u32 s26, $0x1;
	_ =	strace $0x80000046;
	[dreg:$0x1] =	wrdreg $0xFFFFFFFF  }
0xad: {  	s28 =	simm.s32 $_size_execute0_lowered;
	s4 =	sadd.s32 s4, s6;
	[dreg:$0x0] =	wrdreg $0x0  }
0xae: {  	s6 =	sshll.u32 s28, $0x1;
	[dreg:$0x2] =	wrdreg s4  }
0xaf: {  	[dreg:$0x3] =	wrdreg s6  }
0xb0: {  	[dreg:$0x4] =	wrdreg $0xC0  }
0xb1: {  	_ =	task [dreg:s8], $0x5FFFF  }
0xb2: {  	[dreg:$0x1] =	wrdreg $0xFFFFFFFF  }
0xb3: {  	[dreg:$0x0] =	wrdreg $0x60  }
0xb4: {  	[dreg:$0x2] =	wrdreg s24  }
0xb5: {  	[dreg:$0x3] =	wrdreg s16  }
0xb6: {  	[dreg:$0x4] =	wrdreg s17  }
0xb7: {  	[dreg:$0x5] =	wrdreg $0x9  }
0xb8: {  	_ =	task.clear_ibuf [dreg:s8], $0x6FFFF;
	_ =	strace $0x90000046  }
0xb9: {  	s29 =	simm.s32 $0x9;
	_ =	strace $0x80000048  }
0xba: {  	_ =	swait.ge [sflag:s29], $0x1  }
0xbb: {  	[sflag:s29] =	ssyncadd.s32 $0xFFFFFFFF  }
0xbc: {  	_ =	strace $0x90000048  }
0xbd: {  	_ =	sfence  }
0xbe: {  	s30 =	sld [smem:$0x0];
	_ =	sdelay $0x2  }
0xbf: {  	s31 =	sshll.u32 s1, $0xD;
	s1 =	sshrl.u32 s1, $0x2  }
0xc0: {  	s3 =	sand.u32 $0x4000, s31;
	s1 =	sadd.s32 s1, s30  }
0xc1: {  	s0 =	sor.u32 s3, s0;
	s1 =	sshll.u32 s1, $0x11  }
0xc2: {  	s0 =	sor.u32 s1, s0  }
0xc3: {  	s0 =	sadd.s32 $0x8F2B, s0  }
0xc4: {  	[sflag:s0] =	ssyncadd.remote.s32 $0x1  }
0xc5: {  	_ =	sfence.sel $0xFFFF  }
0xc6: {  	[dreg:$0x0] =	wrdreg $0xFFFFFFFF;
	(pc) =	sbr.abs _section_cstart, $3  }
0xc7: {  	[dreg:$0x1] =	wrdreg $0xFFFFFFFF  }
0xc8: {  	_ =	task.clear_ibuf [dreg:s8], $0x2FFFF;
	_ =	strace $0x9FFFFFFF  }
0xc9: {  	(tm) =	ssettm $0x7FFFFFFF  }
tec
execute0_lowered:
.L_overlay_start_1:
0x0: {  	(tag) =	ssettag $0x1  }
0x1: {  	s4 =	rddreg [dreg:$0x0]  }
0x2: {  	s3 =	rddreg [dreg:$0x1]  }
0x3: {  	s11 =	rddreg [dreg:$0x2];
	s5 =	srdreg.scid  }
0x4: {  	s2 =	simm.s32 $0x0;
	s1 =	stileid.u32;
	s12 =	sand.u32 $0x1, s5  }
0x5: {  	[smem:$0x7FF] =	sst s2;
	s30 =	sshll.u32 s1, $0x6;
	s6 =	sshll.u32 s12, $0x5  }
0x6: {  	s0 =	rddreg [dreg:$0x3];
	_ =	strace $0x80000047;
	s13 =	sor.u32 s6, s30  }
0x7: {  	s6 =	simm.s32 $0x100;
	s5 =	sadd.s32 s3, s13;
	s3 =	simm.s32 $0x2  }
0x8: {  	[tilespmem:s6], [sflag:$0x2] =	stream.linear.gather [hbm4b:s5+s2], $0x100, $0x38;
	[tilespmem:$0x300] =	vst v63  }
0x9: {  	_ =	swait.ge [sflag:s3], $0x100  }
0xa: {  	s7 =	sadd.s32 s13, s4;
	[sflag:s3] =	ssyncset.done $0x0  }
0xb: {  	s7 =	sadd.s32 $0xC00, s7;
	[sflag:s3] =	ssyncadd.s32 $0xFFFFFF00  }
0xc: {  	[tilespmem:s2], [sflag:$0x2] =	stream.linear.gather [hbm4b:s7+s2], $0x100, $0x38;
	[tilespmem:$0x300] =	vst v63  }
0xd: {  	s9 =	simm.s32 $0x200;
	_ =	swait.ge [sflag:s3], $0x100  }
0xe: {  	s10 =	simm.s32 $0x1;
	s31 =	ssub.s32 $0x2, s12;
	[sflag:s3] =	ssyncset.done $0x0  }
0xf: {  	s8 =	sadd.s32 $0x1000, s4;
	s12 =	sshrl.u32 s31, $0x1;
	[sflag:s3] =	ssyncadd.s32 $0xFFFFFF00  }
0x10: {  	[tilespmem:s9], [sflag:$0x1] =	stream.indirect.gather [hbm4b:s8+s6], $0x1, s6, s6, $0xb8;
	[tilespmem:$0x300] =	vst v63  }
0x11: {  	s4 =	ssub.s32 s31, s12;
	_ =	swait.ge [sflag:s10], $0x100  }
0x12: {  	s12 =	smax.u32 s4, $0x1;
	[sflag:s10] =	ssyncset.done $0x0  }
0x13: {  	p0 =	sne.s32 s12, $0x1;
	[sflag:s10] =	ssyncadd.s32 $0xFFFFFF00  }
.Ltmp0:
0x14: {  	v1 =	vld [tilespmem:$0x2E0];
	(pc) =	sbr.rel @!p0 .LBB2_2-.Ltmp0, $4  }
0x15: {  	v2 =	vld [tilespmem:$0xE0]  }
0x16: {  	v0 =	vld [tilespmem:$0x2F0]  }
0x17: {  	v3 =	vld [tilespmem:$0x2D0]  }
0x18: {  	s4 =	sadd.s32 s11, s13;
	s11 =	sadd.s32 $0xFFFFFFFF, s12;
	v4 =	vld [tilespmem:$0xD0]  }
.LBB2_1:
0x19: {  	p0 =	sne.s32 s11, $0x1;
	s11 =	sadd.s32 $0xFFFFFFFF, s11;
	v5 =	vld [tilespmem:$0x2A0]  }
0x1a: {  	v6 =	vld [tilespmem:$0x2C0]  }
0x1b: {  	v7 =	vld [tilespmem:$0xC0]  }
0x1c: {  	v8 =	vld [tilespmem:$0x290]  }
0x1d: {  	v9 =	vld [tilespmem:$0xA0]  }
0x1e: {  	v10 =	vld [tilespmem:$0x270]  }
0x1f: {  	v11 =	vld [tilespmem:$0x90]  }
0x20: {  	v12 =	vld [tilespmem:$0x280]  }
0x21: {  	v13 =	vld [tilespmem:$0x80]  }
0x22: {  	v14 =	vld [tilespmem:$0x260]  }
0x23: {  	v15 =	vld [tilespmem:$0x70]  }
0x24: {  	v16 =	vld [tilespmem:$0x250]  }
0x25: {  	v17 =	vld [tilespmem:$0x60]  }
0x26: {  	v18 =	vld [tilespmem:$0x240]  }
0x27: {  	v19 =	vld [tilespmem:$0x50]  }
0x28: {  	v12 =	vadd.s32 v13, v12;
	v20 =	vld [tilespmem:$0x200];
	v10 =	vadd.s32 v15, v10  }
0x29: {  	v13 =	vld [tilespmem:$0x230];
	[tilespmem:$0x70] =	vst v10  }
0x2a: {  	v10 =	vld [tilespmem:$0x40];
	v14 =	vadd.s32 v17, v14;
	[tilespmem:$0x80] =	vst v12  }
0x2b: {  	v8 =	vadd.s32 v11, v8;
	v12 =	vld [tilespmem:$0x30];
	[tilespmem:$0x60] =	vst v14  }
0x2c: {  	v11 =	vadd.s32 v19, v16;
	[tilespmem:$0x90] =	vst v8;
	v8 =	vld [tilespmem:$0x2B0]  }
0x2d: {  	v5 =	vadd.s32 v9, v5;
	v14 =	vld [tilespmem:$0x220];
	[tilespmem:$0x50] =	vst v11  }
0x2e: {  	v9 =	vld [tilespmem:$0x210];
	[tilespmem:$0xA0] =	vst v5;
	v5 =	vadd.s32 v7, v6  }
0x2f: {  	v6 =	vld [tilespmem:$0x20];
	v7 =	vadd.s32 v10, v18;
	[tilespmem:$0xC0] =	vst v5  }
0x30: {  	v5 =	vld [tilespmem:$0x10];
	v10 =	vadd.s32 v12, v13;
	[tilespmem:$0x40] =	vst v7  }
0x31: {  	v3 =	vadd.s32 v4, v3;
	[tilespmem:$0x30] =	vst v10;
	v4 =	vld [tilespmem:$0xF0]  }
0x32: {  	v1 =	vadd.s32 v2, v1;
	v7 =	vld [tilespmem:$0xB0];
	[tilespmem:$0xD0] =	vst v3  }
0x33: {  	v2 =	vld [tilespmem:$0x0];
	[tilespmem:$0xE0] =	vst v1  }
0x34: {  	v1 =	vadd.s32 v6, v14  }
0x35: {  	v3 =	vadd.s32 v5, v9;
	[tilespmem:$0x20] =	vst v1  }
0x36: {  	[tilespmem:$0x10] =	vst v3;
	v0 =	vadd.s32 v4, v0  }
0x37: {  	v1 =	vadd.s32 v7, v8;
	[tilespmem:$0xF0] =	vst v0  }
0x38: {  	v0 =	vadd.s32 v2, v20;
	[tilespmem:$0xB0] =	vst v1  }
0x39: {  	[tilespmem:$0x0] =	vst v0  }
0x3a: {  	[hbm4b:s4+s2] =	stream.linear.scatter [tilespmem:s2], [sflag:$0x2], $0x100, $0x38;
	[tilespmem:$0x300] =	vst v63  }
0x3b: {  	_ =	swait.ge [sflag:s3], $0x100  }
0x3c: {  	[sflag:s3] =	ssyncset.done $0x0  }
0x3d: {  	[sflag:s3] =	ssyncadd.s32 $0xFFFFFF00  }
0x3e: {  	[tilespmem:s6], [sflag:$0x2] =	stream.linear.gather [hbm4b:s5+s2], $0x100, $0x38;
	[tilespmem:$0x300] =	vst v63  }
0x3f: {  	_ =	swait.ge [sflag:s3], $0x100  }
0x40: {  	[sflag:s3] =	ssyncset.done $0x0  }
0x41: {  	[sflag:s3] =	ssyncadd.s32 $0xFFFFFF00  }
0x42: {  	[tilespmem:s2], [sflag:$0x2] =	stream.linear.gather [hbm4b:s7+s2], $0x100, $0x38;
	[tilespmem:$0x300] =	vst v63  }
0x43: {  	_ =	swait.ge [sflag:s3], $0x100  }
0x44: {  	[sflag:s3] =	ssyncset.done $0x0  }
0x45: {  	[sflag:s3] =	ssyncadd.s32 $0xFFFFFF00  }
0x46: {  	[tilespmem:s9], [sflag:$0x1] =	stream.indirect.gather [hbm4b:s8+s6], $0x1, s6, s6, $0xb8;
	[tilespmem:$0x300] =	vst v63  }
0x47: {  	_ =	swait.ge [sflag:s10], $0x100  }
0x48: {  	[sflag:s10] =	ssyncset.done $0x0  }
0x49: {  	[sflag:s10] =	ssyncadd.s32 $0xFFFFFF00  }
.Ltmp1:
0x4a: {  	v1 =	vld [tilespmem:$0x2E0];
	(pc) =	sbr.rel @p0 .LBB2_1-.Ltmp1, $4  }
0x4b: {  	v2 =	vld [tilespmem:$0xE0]  }
0x4c: {  	v0 =	vld [tilespmem:$0x2F0]  }
0x4d: {  	v3 =	vld [tilespmem:$0x2D0]  }
0x4e: {  	v4 =	vld [tilespmem:$0xD0]  }
.LBB2_2:
0x4f: {  	v5 =	vld [tilespmem:$0x2A0]  }
0x50: {  	v6 =	vld [tilespmem:$0x2C0]  }
0x51: {  	v7 =	vld [tilespmem:$0xC0]  }
0x52: {  	v8 =	vld [tilespmem:$0x290]  }
0x53: {  	v9 =	vld [tilespmem:$0xA0]  }
0x54: {  	v10 =	vld [tilespmem:$0x270]  }
0x55: {  	v11 =	vld [tilespmem:$0x90]  }
0x56: {  	v12 =	vld [tilespmem:$0x280]  }
0x57: {  	v13 =	vld [tilespmem:$0x80]  }
0x58: {  	v14 =	vld [tilespmem:$0x260]  }
0x59: {  	v15 =	vld [tilespmem:$0x70]  }
0x5a: {  	v16 =	vld [tilespmem:$0x250]  }
0x5b: {  	v17 =	vld [tilespmem:$0x60]  }
0x5c: {  	v18 =	vld [tilespmem:$0x240]  }
0x5d: {  	v19 =	vld [tilespmem:$0x50]  }
0x5e: {  	v20 =	vld [tilespmem:$0x200]  }
0x5f: {  	v44 =	vld [tilespmem:$0x230];
	v1 =	vadd.s32 v2, v1  }
0x60: {  	v45 =	vld [tilespmem:$0x40];
	[tilespmem:$0xE0] =	vst v1;
	v3 =	vadd.s32 v4, v3  }
0x61: {  	v47 =	vld [tilespmem:$0x30];
	v10 =	vadd.s32 v15, v10;
	[tilespmem:$0xD0] =	vst v3  }
0x62: {  	v48 =	vld [tilespmem:$0x2B0];
	v12 =	vadd.s32 v13, v12;
	[tilespmem:$0x70] =	vst v10  }
0x63: {  	v50 =	vld [tilespmem:$0x220];
	v46 =	vadd.s32 v17, v14;
	[tilespmem:$0x80] =	vst v12  }
0x64: {  	v51 =	vld [tilespmem:$0x210];
	v8 =	vadd.s32 v11, v8;
	[tilespmem:$0x60] =	vst v46  }
0x65: {  	v53 =	vld [tilespmem:$0x20];
	v49 =	vadd.s32 v19, v16;
	[tilespmem:$0x90] =	vst v8  }
0x66: {  	v55 =	vld [tilespmem:$0x10];
	v5 =	vadd.s32 v9, v5;
	[tilespmem:$0x50] =	vst v49  }
0x67: {  	v57 =	vld [tilespmem:$0xF0];
	v52 =	vadd.s32 v7, v6;
	[tilespmem:$0xA0] =	vst v5  }
0x68: {  	v58 =	vld [tilespmem:$0xB0];
	v54 =	vadd.s32 v45, v18;
	[tilespmem:$0xC0] =	vst v52  }
0x69: {  	v59 =	vld [tilespmem:$0x0];
	v56 =	vadd.s32 v47, v44;
	[tilespmem:$0x40] =	vst v54  }
0x6a: {  	v60 =	vadd.s32 v53, v50;
	[tilespmem:$0x30] =	vst v56  }
0x6b: {  	v61 =	vadd.s32 v55, v51;
	[tilespmem:$0x20] =	vst v60  }
0x6c: {  	v0 =	vadd.s32 v57, v0;
	[tilespmem:$0x10] =	vst v61  }
0x6d: {  	v62 =	vadd.s32 v58, v48;
	[tilespmem:$0xF0] =	vst v0  }
0x6e: {  	v63 =	vadd.s32 v59, v20;
	[tilespmem:$0xB0] =	vst v62  }
0x6f: {  	[tilespmem:$0x0] =	vst v63  }
0x70: {  	[hbm4b:s4+s2] =	stream.linear.scatter [tilespmem:s2], [sflag:$0x2], $0x100, $0x38;
	[tilespmem:$0x300] =	vst v63  }
0x71: {  	_ =	swait.ge [sflag:s3], $0x100  }
0x72: {  	[sflag:s3] =	ssyncset.done $0x0  }
0x73: {  	[sflag:s3] =	ssyncadd.s32 $0xFFFFFF00  }
0x74: {  	_ =	sfence.sel $0x180000  }
0x75: {  	[bflag:$0x0] =	sbarrier.arrive $0xFFFF  }
0x76: {  	p0 =	sne.s32 s1, $0x0;
	_ =	strace $0x90000047  }
0x77: {  	s0 =	sadd.s32 @!p0 $0x100000, s0;
	[bflag:$0x2] =	sbarrier.arrive $0xFFFF  }
0x78: {  	[sflag:s0] =	ssyncadd.tile.s32 @!p0 $0x1;
	_ =	shalt  }
.Lfunc_end2:
_tile_overlayer_lowered:
.L_overlay_start_2:
0x79: {  	(tag) =	ssettag $0x2  }
0x7a: {  	s0 =	rddreg [dreg:$0x0];
	s2 =	stileid.u32  }
0x7b: {  	s1 =	rddreg [dreg:$0x1];
	p0 =	sne.s32 s2, $0x0  }
0x7c: {  	s3 =	rddreg [dreg:$0x2];
	[bflag:$0x3] =	sbarrier.arrive $0xFFFF;
	s2 =	simm.s32 @!p0 $0x1C02  }
0x7d: {  	[timem:s3], [sflag:s2] =	dma.local @!p0 [hbm:s0], s1  }
0x7e: {  	s0 =	simm.s32 @!p0 $0x2  }
0x7f: {  	_ =	swait.ge @!p0 [sflag:s0], s1  }
0x80: {  	s1 =	ssub.s32 @!p0 $0x0, s1;
	[sflag:s0] =	ssyncset.done @!p0 $0x0  }
0x81: {  	[sflag:s0] =	ssyncadd.s32 @!p0 s1  }
0x82: {  	[bflag:$0x3] =	sbarrier.arrive $0xFFFF  }
0x83: {  	_ =	shalt  }

</sc_bundles>
